<compile_context>
chip_gen: v7x
topology: tpu7x:2x2x1
jax: 0.10.2.dev20260603
libtpu: 0.0.44.dev20260713+nightly
codegen_flags: <defaults>
</compile_context>

<pallas_src>
import jax
import jax.numpy as jnp
from jax import lax
from jax.experimental import pallas as pl
from jax.experimental.pallas import tpu as pltpu
from jax.experimental.pallas import tpu_sc as plsc

NUM_CLASS = 128
GAMMA = 2.0
EPSILON = 1e-10

NC = 2
NS = 16
L = 16
NW = NC * NS
N_ROWS = 4096
ROWS_PER_W = N_ROWS // NW
TILES_PER_W = ROWS_PER_W // L

_LN2 = 0.6931471805599453
_SQRT2 = 1.4142135623730951


def _vlog(x):
    bits = plsc.bitcast(x, jnp.int32)
    e = lax.shift_right_logical(bits, 23) - 127
    mbits = lax.bitwise_or(lax.bitwise_and(bits, 0x007FFFFF), 0x3F800000)
    m = plsc.bitcast(mbits, jnp.float32)
    big = m > _SQRT2
    m = jnp.where(big, m * 0.5, m)
    e = e + jnp.where(big, 1, 0)
    r = (m - 1.0) / (m + 1.0)
    r2 = r * r
    lgm = 2.0 * r * (1.0 + r2 * (1.0 / 3.0 + r2 * (0.2 + r2 * (1.0 / 7.0))))
    return e.astype(jnp.float32) * _LN2 + lgm


def _body(x_hbm, t_hbm, a_hbm, out_hbm, x_v, t_v, a_v, res_v, sem1, sem2):
    cid = lax.axis_index("c")
    sid = lax.axis_index("s")
    wid = sid * NC + cid
    row0 = wid * ROWS_PER_W
    half = ROWS_PER_W * NUM_CLASS // 2
    cp1 = pltpu.async_copy(
        x_hbm.at[pl.ds(row0 * NUM_CLASS, half)], x_v.at[pl.ds(0, half)], sem1
    )
    cp2 = pltpu.async_copy(
        x_hbm.at[pl.ds(row0 * NUM_CLASS + half, half)],
        x_v.at[pl.ds(half, half)],
        sem2,
    )
    pltpu.sync_copy(t_hbm.at[pl.ds(row0, ROWS_PER_W)], t_v)
    pltpu.sync_copy(a_hbm, a_v)

    lane = lax.iota(jnp.int32, L)

    def tile_body(tt, carry):
        facc, aacc = carry

        @pl.when(tt == TILES_PER_W // 2)
        def _():
            pltpu.make_async_copy(
                x_hbm.at[pl.ds(row0 * NUM_CLASS + half, half)],
                x_v.at[pl.ds(half, half)],
                sem2,
            ).wait()

        rbase = (tt * L + lane) * NUM_CLASS
        rb = rbase + lane
        rend = rbase + NUM_CLASS
        zero = jnp.zeros((L,), jnp.float32)

        @pl.loop(0, 112, init_carry=(zero, zero, zero, zero), step=8, unroll=1)
        def col_loop(c, carry):
            accs = list(carry)
            for u in range(8):
                v = plsc.load_gather(x_v, [rb + (c + u)])
                accs[u % 4] = accs[u % 4] + jnp.exp(v)
            return tuple(accs)

        @pl.loop(112, NUM_CLASS, init_carry=col_loop, step=4, unroll=1)
        def tail_loop(c, carry):
            accs = list(carry)
            for u in range(4):
                idx = rb + (c + u)
                idx = jnp.where(idx >= rend, idx - NUM_CLASS, idx)
                v = plsc.load_gather(x_v, [idx])
                accs[u] = accs[u] + jnp.exp(v)
            return tuple(accs)

        a0, a1, a2, a3 = tail_loop
        d = (a0 + a1) + (a2 + a3)
        t = plsc.load_gather(t_v, [tt * L + lane])
        t = jnp.where(t == -100, 0, t)
        xt = plsc.load_gather(x_v, [rbase + t])
        pt = jnp.exp(xt) / d + EPSILON
        om = 1.0 - pt
        facc = facc + om * om * _vlog(pt)
        aacc = aacc + plsc.load_gather(a_v, [t])
        return facc, aacc

    zero = jnp.zeros((L,), jnp.float32)
    cp1.wait()
    facc, aacc = lax.fori_loop(0, TILES_PER_W, tile_body, (zero, zero))
    fsum = jnp.sum(facc)
    asum = jnp.sum(aacc)
    comb = jnp.where(lane == 1, jnp.full((L,), asum, jnp.float32),
                     jnp.full((L,), fsum, jnp.float32))
    res_v[pl.ds(0, L)] = comb
    pltpu.sync_copy(res_v, out_hbm.at[wid])


def kernel(input, target, alpha):
    x = input.reshape(-1)
    t = target.reshape(-1).astype(jnp.int32)
    a = alpha.reshape(-1)
    n = t.shape[0]
    mesh = plsc.VectorSubcoreMesh(
        core_axis_name="c", subcore_axis_name="s", num_cores=NC, num_subcores=NS
    )
    out = pl.kernel(
        _body,
        out_type=jax.ShapeDtypeStruct((NW, L), jnp.float32),
        mesh=mesh,
        compiler_params=pltpu.CompilerParams(
            needs_layout_passes=False, skip_device_barrier=True
        ),
        scratch_types=[
            pltpu.VMEM((ROWS_PER_W * NUM_CLASS,), jnp.float32),
            pltpu.VMEM((ROWS_PER_W,), jnp.int32),
            pltpu.VMEM((NUM_CLASS,), jnp.float32),
            pltpu.VMEM((L,), jnp.float32),
            pltpu.SemaphoreType.DMA,
            pltpu.SemaphoreType.DMA,
        ],
    )(x, t, a)
    fsum = out[:, 0].sum()
    asum = out[:, 1].sum()
    return -(asum * fsum) / (n * n)

# --- scband reference (transcript-rebuilt; emitter-appended) ---
"""Pipeline reference for scband-multi-focal-loss-14834817040527 (READ-ONLY COPY).

The authoritative reference and input builder live on the scoring server;
editing this copy changes nothing except your own understanding.
"""

import jax, jax.numpy as jnp
import numpy as np

NUM_CLASS = 128
GAMMA = 2.0
EPSILON = 1e-10


def setup_inputs(seed: int = 0) -> dict:
    key = jax.random.key(seed)
    k1, k2 = jax.random.split(key)
    inp = jax.random.normal(k1, (4, 1024, NUM_CLASS), dtype=jnp.float32)
    target = jax.random.randint(k2, (4, 1024), 0, NUM_CLASS, dtype=jnp.int32)
    # learned/buffer parameter: alpha defaults to ones(num_class, 1)
    alpha = jnp.ones((NUM_CLASS, 1), dtype=jnp.float32)
    return {"input": inp, "target": target, "alpha": alpha}


def reference(input, target, alpha):
    # softmax over class dim (dim=2)
    logit = jax.nn.softmax(input, axis=2)
    # flatten to (B*N, C)
    logit = logit.reshape(-1, logit.shape[-1])
    tgt = target.reshape(-1, 1)
    # select rows where target != -100 (ignore index filtering)
    mask = tgt[:, 0] != -100
    idx = jnp.where(mask[:, None], tgt, 0).astype(jnp.int32)
    n = tgt.shape[0]
    # one-hot via scatter-overwrite along dim 1
    one_hot_key = jnp.zeros((n, NUM_CLASS), dtype=logit.dtype)
    one_hot_key = one_hot_key.at[jnp.arange(n), idx[:, 0]].set(1.0)
    # smooth is None -> no clamp
    temp = one_hot_key * logit
    pt = temp.sum(axis=1) + EPSILON          # (n,)
    logpt = jnp.log(pt)                      # (n,)
    alpha_sel = alpha[idx]                   # (n, 1, 1) -- matches torch alpha[idx]
    # NOTE: faithful to the original torch broadcasting: (n,1,1)*(n,) -> (n,1,n)
    loss = -1.0 * alpha_sel * jnp.power(1.0 - pt, GAMMA) * logpt
    # size_average=True
    loss = loss.mean()
    return loss

if __name__ == "__main__":
    import jax
    _d = setup_inputs()
    print(jax.jit(kernel)(*tuple(_d.values())))

</pallas_src>

<mosaic_0001>
#map = affine_map<(d0, d1) -> (0)>
#map1 = affine_map<(d0, d1) -> (0, 0)>
module attributes {stable_mosaic.version = 14 : i64} {
  func.func @_body(%arg0: i32, %arg1: i32, %arg2: memref<524288xf32, #tpu.memory_space<hbm>>, %arg3: memref<4096xi32, #tpu.memory_space<hbm>>, %arg4: memref<128xf32, #tpu.memory_space<hbm>>, %arg5: memref<32x16xf32, #tpu.memory_space<hbm>>, %arg6: memref<16384xf32, #tpu.memory_space<vmem>>, %arg7: memref<128xi32, #tpu.memory_space<vmem>>, %arg8: memref<128xf32, #tpu.memory_space<vmem>>, %arg9: memref<16xf32, #tpu.memory_space<vmem>>, %arg10: memref<!tpu.dma_semaphore, #tpu.memory_space<semaphore_mem>>, %arg11: memref<!tpu.dma_semaphore, #tpu.memory_space<semaphore_mem>>) attributes {dimension_semantics = [#tpu.dimension_semantics<core_parallel>, #tpu.dimension_semantics<subcore_parallel>], iteration_bounds = array<i64: 2, 16>, scalar_prefetch = 0 : i64, scratch_operands = 6 : i64, tpu.core_type = #tpu.core_type<sc_vector_subcore>, window_params = [{transform_indices = #map}, {transform_indices = #map}, {transform_indices = #map}, {transform_indices = #map1}]} {
    %mul3A = arith.constant 2 : i32
    %mul3A_0 = arith.muli %arg1, %mul3A : i32
    %add3A = arith.addi %mul3A_0, %arg0 : i32
    %mul3A_1 = arith.constant 128 : i32
    %mul3A_2 = arith.muli %add3A, %mul3A_1 : i32
    %mul3A_3 = arith.constant 128 : i32
    %mul3A_4 = arith.muli %mul3A_2, %mul3A_3 : i32
    %dma_start3A = arith.constant 0 : i32
    %dma_start3A_5 = tpu.memref_slice %arg6[%dma_start3A] : memref<16384xf32, #tpu.memory_space<vmem>> -> memref<8192xf32, #tpu.memory_space<vmem>>
    %dma_start3A_6 = tpu.memref_slice %arg2[%mul3A_4] : memref<524288xf32, #tpu.memory_space<hbm>> -> memref<8192xf32, #tpu.memory_space<hbm>>
    %dma_start3A_7 = arith.constant 0 : i32
    %dma_start3A_8 = tpu.memref_slice %arg6[%dma_start3A_7] : memref<16384xf32, #tpu.memory_space<vmem>> -> memref<8192xf32, #tpu.memory_space<vmem>>
    %dma_start3A_9 = tpu.memref_slice %arg2[%mul3A_4] : memref<524288xf32, #tpu.memory_space<hbm>> -> memref<8192xf32, #tpu.memory_space<hbm>>
    tpu.enqueue_dma source(%dma_start3A_9 : memref<8192xf32, #tpu.memory_space<hbm>>) target(%dma_start3A_8 : memref<8192xf32, #tpu.memory_space<vmem>>) target_semaphore(%arg10 : memref<!tpu.dma_semaphore, #tpu.memory_space<semaphore_mem>>)
    %mul3A_10 = arith.constant 128 : i32
    %mul3A_11 = arith.muli %mul3A_2, %mul3A_10 : i32
    %add3A_12 = arith.constant 8192 : i32
    %add3A_13 = arith.addi %mul3A_11, %add3A_12 : i32
    %dma_start3A_14 = arith.constant 8192 : i32
    %dma_start3A_15 = tpu.memref_slice %arg6[%dma_start3A_14] : memref<16384xf32, #tpu.memory_space<vmem>> -> memref<8192xf32, #tpu.memory_space<vmem>>
    %dma_start3A_16 = tpu.memref_slice %arg2[%add3A_13] : memref<524288xf32, #tpu.memory_space<hbm>> -> memref<8192xf32, #tpu.memory_space<hbm>>
    %dma_start3A_17 = arith.constant 8192 : i32
    %dma_start3A_18 = tpu.memref_slice %arg6[%dma_start3A_17] : memref<16384xf32, #tpu.memory_space<vmem>> -> memref<8192xf32, #tpu.memory_space<vmem>>
    %dma_start3A_19 = tpu.memref_slice %arg2[%add3A_13] : memref<524288xf32, #tpu.memory_space<hbm>> -> memref<8192xf32, #tpu.memory_space<hbm>>
    tpu.enqueue_dma source(%dma_start3A_19 : memref<8192xf32, #tpu.memory_space<hbm>>) target(%dma_start3A_18 : memref<8192xf32, #tpu.memory_space<vmem>>) target_semaphore(%arg11 : memref<!tpu.dma_semaphore, #tpu.memory_space<semaphore_mem>>)
    "tpu.region"() ({
      %run_scoped3A = tpu.sem_alloc : memref<!tpu.dma_semaphore, #tpu.memory_space<semaphore_mem>>
      %dma_start3A_43 = tpu.memref_slice %arg3[%mul3A_2] : memref<4096xi32, #tpu.memory_space<hbm>> -> memref<128xi32, #tpu.memory_space<hbm>>
      %dma_start3A_44 = tpu.memref_slice %arg3[%mul3A_2] : memref<4096xi32, #tpu.memory_space<hbm>> -> memref<128xi32, #tpu.memory_space<hbm>>
      tpu.enqueue_dma source(%dma_start3A_44 : memref<128xi32, #tpu.memory_space<hbm>>) target(%arg7 : memref<128xi32, #tpu.memory_space<vmem>>) target_semaphore(%run_scoped3A : memref<!tpu.dma_semaphore, #tpu.memory_space<semaphore_mem>>)
      %dma_wait3A_45 = tpu.memref_slice %arg3[%mul3A_2] : memref<4096xi32, #tpu.memory_space<hbm>> -> memref<128xi32, #tpu.memory_space<hbm>>
      %dma_wait3A_46 = tpu.memref_slice %arg3[%mul3A_2] : memref<4096xi32, #tpu.memory_space<hbm>> -> memref<128xi32, #tpu.memory_space<hbm>>
      tpu.wait_dma2 semaphore(%run_scoped3A : memref<!tpu.dma_semaphore, #tpu.memory_space<semaphore_mem>>) src(%dma_wait3A_46 : memref<128xi32, #tpu.memory_space<hbm>>) dst(%arg7 : memref<128xi32, #tpu.memory_space<vmem>>)
      tpu.yield
    }) : () -> ()
    "tpu.region"() ({
      %run_scoped3A = tpu.sem_alloc : memref<!tpu.dma_semaphore, #tpu.memory_space<semaphore_mem>>
      tpu.enqueue_dma source(%arg4 : memref<128xf32, #tpu.memory_space<hbm>>) target(%arg8 : memref<128xf32, #tpu.memory_space<vmem>>) target_semaphore(%run_scoped3A : memref<!tpu.dma_semaphore, #tpu.memory_space<semaphore_mem>>)
      tpu.wait_dma2 semaphore(%run_scoped3A : memref<!tpu.dma_semaphore, #tpu.memory_space<semaphore_mem>>) src(%arg4 : memref<128xf32, #tpu.memory_space<hbm>>) dst(%arg8 : memref<128xf32, #tpu.memory_space<vmem>>)
      tpu.yield
    }) : () -> ()
    %iota3A = tpu.iota {dimensions = array<i32: 0>} : vector<16xi32>
    %broadcast_in_dim3A = arith.constant 0.000000e+00 : f32
    %broadcast_in_dim3A_20 = vector.broadcast %broadcast_in_dim3A : f32 to vector<16xf32>
    %dma_wait3A = arith.constant 0 : i32
    %dma_wait3A_21 = tpu.memref_slice %arg6[%dma_wait3A] : memref<16384xf32, #tpu.memory_space<vmem>> -> memref<8192xf32, #tpu.memory_space<vmem>>
    %dma_wait3A_22 = tpu.memref_slice %arg2[%mul3A_4] : memref<524288xf32, #tpu.memory_space<hbm>> -> memref<8192xf32, #tpu.memory_space<hbm>>
    %dma_wait3A_23 = arith.constant 0 : i32
    %dma_wait3A_24 = tpu.memref_slice %arg6[%dma_wait3A_23] : memref<16384xf32, #tpu.memory_space<vmem>> -> memref<8192xf32, #tpu.memory_space<vmem>>
    %dma_wait3A_25 = tpu.memref_slice %arg2[%mul3A_4] : memref<524288xf32, #tpu.memory_space<hbm>> -> memref<8192xf32, #tpu.memory_space<hbm>>
    tpu.wait_dma2 semaphore(%arg10 : memref<!tpu.dma_semaphore, #tpu.memory_space<semaphore_mem>>) src(%dma_wait3A_25 : memref<8192xf32, #tpu.memory_space<hbm>>) dst(%dma_wait3A_24 : memref<8192xf32, #tpu.memory_space<vmem>>)
    %scan3A = arith.constant 0 : i32
    %scan3A_26 = arith.constant 8 : i32
    %scan3A_27 = arith.addi %scan3A, %scan3A_26 : i32
    %scan3A_28 = arith.constant 1 : i32
    %scan3A_29:2 = scf.for %scan3A_43 = %scan3A to %scan3A_27 step %scan3A_28 iter_args(%scan3A_44 = %broadcast_in_dim3A_20, %scan3A_45 = %broadcast_in_dim3A_20) -> (vector<16xf32>, vector<16xf32>)  : i32 {
      %eq3A_46 = arith.constant 4 : i32
      %eq3A_47 = arith.cmpi eq, %scan3A_43, %eq3A_46 : i32
      %convert_element_type3A = arith.extui %eq3A_47 : i1 to i32
      %cond3A = arith.constant 0 : i32
      %cond3A_48 = arith.cmpi ne, %convert_element_type3A, %cond3A : i32
      scf.if %cond3A_48 {
        %mul3A_151 = arith.constant 128 : i32
        %mul3A_152 = arith.muli %mul3A_2, %mul3A_151 : i32
        %add3A_153 = arith.constant 8192 : i32
        %add3A_154 = arith.addi %mul3A_152, %add3A_153 : i32
        %dma_wait3A_155 = arith.constant 8192 : i32
        %dma_wait3A_156 = tpu.memref_slice %arg6[%dma_wait3A_155] : memref<16384xf32, #tpu.memory_space<vmem>> -> memref<8192xf32, #tpu.memory_space<vmem>>
        %dma_wait3A_157 = tpu.memref_slice %arg2[%add3A_154] : memref<524288xf32, #tpu.memory_space<hbm>> -> memref<8192xf32, #tpu.memory_space<hbm>>
        %dma_wait3A_158 = arith.constant 8192 : i32
        %dma_wait3A_159 = tpu.memref_slice %arg6[%dma_wait3A_158] : memref<16384xf32, #tpu.memory_space<vmem>> -> memref<8192xf32, #tpu.memory_space<vmem>>
        %dma_wait3A_160 = tpu.memref_slice %arg2[%add3A_154] : memref<524288xf32, #tpu.memory_space<hbm>> -> memref<8192xf32, #tpu.memory_space<hbm>>
        tpu.wait_dma2 semaphore(%arg11 : memref<!tpu.dma_semaphore, #tpu.memory_space<semaphore_mem>>) src(%dma_wait3A_160 : memref<8192xf32, #tpu.memory_space<hbm>>) dst(%dma_wait3A_159 : memref<8192xf32, #tpu.memory_space<vmem>>)
      } else {
      }
      %mul3A_49 = arith.constant 16 : i32
      %mul3A_50 = arith.muli %scan3A_43, %mul3A_49 : i32
      %add3A_51 = vector.broadcast %mul3A_50 : i32 to vector<16xi32>
      %add3A_52 = arith.addi %add3A_51, %iota3A : vector<16xi32>
      %mul3A_53 = arith.constant 128 : i32
      %mul3A_54 = vector.broadcast %mul3A_53 : i32 to vector<16xi32>
      %mul3A_55 = arith.muli %add3A_52, %mul3A_54 : vector<16xi32>
      %add3A_56 = arith.addi %mul3A_55, %iota3A : vector<16xi32>
      %add3A_57 = arith.constant 128 : i32
      %add3A_58 = vector.broadcast %add3A_57 : i32 to vector<16xi32>
      %add3A_59 = arith.addi %mul3A_55, %add3A_58 : vector<16xi32>
      %broadcast_in_dim3A_60 = arith.constant 0.000000e+00 : f32
      %broadcast_in_dim3A_61 = vector.broadcast %broadcast_in_dim3A_60 : f32 to vector<16xf32>
      %scan3A_62 = arith.constant 0 : i32
      %scan3A_63 = arith.constant 14 : i32
      %scan3A_64 = arith.addi %scan3A_62, %scan3A_63 : i32
      %scan3A_65 = arith.constant 1 : i32
      %scan3A_66:4 = scf.for %scan3A_151 = %scan3A_62 to %scan3A_64 step %scan3A_65 iter_args(%scan3A_152 = %broadcast_in_dim3A_61, %scan3A_153 = %broadcast_in_dim3A_61, %scan3A_154 = %broadcast_in_dim3A_61, %scan3A_155 = %broadcast_in_dim3A_61) -> (vector<16xf32>, vector<16xf32>, vector<16xf32>, vector<16xf32>)  : i32 {
        %mul3A_156 = arith.constant 8 : i32
        %mul3A_157 = arith.muli %scan3A_151, %mul3A_156 : i32
        %add3A_158 = arith.constant 0 : i32
        %add3A_159 = arith.addi %add3A_158, %mul3A_157 : i32
        %add3A_160 = arith.constant 0 : i32
        %add3A_161 = arith.addi %add3A_159, %add3A_160 : i32
        %add3A_162 = vector.broadcast %add3A_161 : i32 to vector<16xi32>
        %add3A_163 = arith.addi %add3A_56, %add3A_162 : vector<16xi32>
        %gather3A_164 = tpu.vector_load_idx %arg6[%add3A_163] : memref<16384xf32, #tpu.memory_space<vmem>>[vector<16xi32>], vector<16xf32>,
        %exp3A_165 = math.exp %gather3A_164 : vector<16xf32>
        %add3A_166 = arith.addf %scan3A_152, %exp3A_165 : vector<16xf32>
        %add3A_167 = arith.constant 1 : i32
        %add3A_168 = arith.addi %add3A_159, %add3A_167 : i32
        %add3A_169 = vector.broadcast %add3A_168 : i32 to vector<16xi32>
        %add3A_170 = arith.addi %add3A_56, %add3A_169 : vector<16xi32>
        %gather3A_171 = tpu.vector_load_idx %arg6[%add3A_170] : memref<16384xf32, #tpu.memory_space<vmem>>[vector<16xi32>], vector<16xf32>,
        %exp3A_172 = math.exp %gather3A_171 : vector<16xf32>
        %add3A_173 = arith.addf %scan3A_153, %exp3A_172 : vector<16xf32>
        %add3A_174 = arith.constant 2 : i32
        %add3A_175 = arith.addi %add3A_159, %add3A_174 : i32
        %add3A_176 = vector.broadcast %add3A_175 : i32 to vector<16xi32>
        %add3A_177 = arith.addi %add3A_56, %add3A_176 : vector<16xi32>
        %gather3A_178 = tpu.vector_load_idx %arg6[%add3A_177] : memref<16384xf32, #tpu.memory_space<vmem>>[vector<16xi32>], vector<16xf32>,
        %exp3A_179 = math.exp %gather3A_178 : vector<16xf32>
        %add3A_180 = arith.addf %scan3A_154, %exp3A_179 : vector<16xf32>
        %add3A_181 = arith.constant 3 : i32
        %add3A_182 = arith.addi %add3A_159, %add3A_181 : i32
        %add3A_183 = vector.broadcast %add3A_182 : i32 to vector<16xi32>
        %add3A_184 = arith.addi %add3A_56, %add3A_183 : vector<16xi32>
        %gather3A_185 = tpu.vector_load_idx %arg6[%add3A_184] : memref<16384xf32, #tpu.memory_space<vmem>>[vector<16xi32>], vector<16xf32>,
        %exp3A_186 = math.exp %gather3A_185 : vector<16xf32>
        %add3A_187 = arith.addf %scan3A_155, %exp3A_186 : vector<16xf32>
        %add3A_188 = arith.constant 4 : i32
        %add3A_189 = arith.addi %add3A_159, %add3A_188 : i32
        %add3A_190 = vector.broadcast %add3A_189 : i32 to vector<16xi32>
        %add3A_191 = arith.addi %add3A_56, %add3A_190 : vector<16xi32>
        %gather3A_192 = tpu.vector_load_idx %arg6[%add3A_191] : memref<16384xf32, #tpu.memory_space<vmem>>[vector<16xi32>], vector<16xf32>,
        %exp3A_193 = math.exp %gather3A_192 : vector<16xf32>
        %add3A_194 = arith.addf %add3A_166, %exp3A_193 : vector<16xf32>
        %add3A_195 = arith.constant 5 : i32
        %add3A_196 = arith.addi %add3A_159, %add3A_195 : i32
        %add3A_197 = vector.broadcast %add3A_196 : i32 to vector<16xi32>
        %add3A_198 = arith.addi %add3A_56, %add3A_197 : vector<16xi32>
        %gather3A_199 = tpu.vector_load_idx %arg6[%add3A_198] : memref<16384xf32, #tpu.memory_space<vmem>>[vector<16xi32>], vector<16xf32>,
        %exp3A_200 = math.exp %gather3A_199 : vector<16xf32>
        %add3A_201 = arith.addf %add3A_173, %exp3A_200 : vector<16xf32>
        %add3A_202 = arith.constant 6 : i32
        %add3A_203 = arith.addi %add3A_159, %add3A_202 : i32
        %add3A_204 = vector.broadcast %add3A_203 : i32 to vector<16xi32>
        %add3A_205 = arith.addi %add3A_56, %add3A_204 : vector<16xi32>
        %gather3A_206 = tpu.vector_load_idx %arg6[%add3A_205] : memref<16384xf32, #tpu.memory_space<vmem>>[vector<16xi32>], vector<16xf32>,
        %exp3A_207 = math.exp %gather3A_206 : vector<16xf32>
        %add3A_208 = arith.addf %add3A_180, %exp3A_207 : vector<16xf32>
        %add3A_209 = arith.constant 7 : i32
        %add3A_210 = arith.addi %add3A_159, %add3A_209 : i32
        %add3A_211 = vector.broadcast %add3A_210 : i32 to vector<16xi32>
        %add3A_212 = arith.addi %add3A_56, %add3A_211 : vector<16xi32>
        %gather3A_213 = tpu.vector_load_idx %arg6[%add3A_212] : memref<16384xf32, #tpu.memory_space<vmem>>[vector<16xi32>], vector<16xf32>,
        %exp3A_214 = math.exp %gather3A_213 : vector<16xf32>
        %add3A_215 = arith.addf %add3A_187, %exp3A_214 : vector<16xf32>
        scf.yield %add3A_194, %add3A_201, %add3A_208, %add3A_215 : vector<16xf32>, vector<16xf32>, vector<16xf32>, vector<16xf32>
      }
      %scan3A_67 = arith.constant 14 : i32
      %scan3A_68 = arith.constant 0 : i32
      %scan3A_69 = arith.constant 4 : i32
      %scan3A_70 = arith.addi %scan3A_68, %scan3A_69 : i32
      %scan3A_71 = arith.constant 1 : i32
      %scan3A_72:4 = scf.for %scan3A_151 = %scan3A_68 to %scan3A_70 step %scan3A_71 iter_args(%scan3A_152 = %scan3A_66#0, %scan3A_153 = %scan3A_66#1, %scan3A_154 = %scan3A_66#2, %scan3A_155 = %scan3A_66#3) -> (vector<16xf32>, vector<16xf32>, vector<16xf32>, vector<16xf32>)  : i32 {
        %mul3A_156 = arith.constant 4 : i32
        %mul3A_157 = arith.muli %scan3A_151, %mul3A_156 : i32
        %add3A_158 = arith.constant 112 : i32
        %add3A_159 = arith.addi %add3A_158, %mul3A_157 : i32
        %add3A_160 = arith.constant 0 : i32
        %add3A_161 = arith.addi %add3A_159, %add3A_160 : i32
        %add3A_162 = vector.broadcast %add3A_161 : i32 to vector<16xi32>
        %add3A_163 = arith.addi %add3A_56, %add3A_162 : vector<16xi32>
        %ge3A = arith.cmpi sge, %add3A_163, %add3A_59 : vector<16xi32>
        %sub3A_164 = arith.constant 128 : i32
        %sub3A_165 = vector.broadcast %sub3A_164 : i32 to vector<16xi32>
        %sub3A_166 = arith.subi %add3A_163, %sub3A_165 : vector<16xi32>
        %select_n3A_167 = arith.select %ge3A, %sub3A_166, %add3A_163 : vector<16xi1>, vector<16xi32>
        %gather3A_168 = tpu.vector_load_idx %arg6[%select_n3A_167] : memref<16384xf32, #tpu.memory_space<vmem>>[vector<16xi32>], vector<16xf32>,
        %exp3A_169 = math.exp %gather3A_168 : vector<16xf32>
        %add3A_170 = arith.addf %scan3A_152, %exp3A_169 : vector<16xf32>
        %add3A_171 = arith.constant 1 : i32
        %add3A_172 = arith.addi %add3A_159, %add3A_171 : i32
        %add3A_173 = vector.broadcast %add3A_172 : i32 to vector<16xi32>
        %add3A_174 = arith.addi %add3A_56, %add3A_173 : vector<16xi32>
        %ge3A_175 = arith.cmpi sge, %add3A_174, %add3A_59 : vector<16xi32>
        %sub3A_176 = arith.constant 128 : i32
        %sub3A_177 = vector.broadcast %sub3A_176 : i32 to vector<16xi32>
        %sub3A_178 = arith.subi %add3A_174, %sub3A_177 : vector<16xi32>
        %select_n3A_179 = arith.select %ge3A_175, %sub3A_178, %add3A_174 : vector<16xi1>, vector<16xi32>
        %gather3A_180 = tpu.vector_load_idx %arg6[%select_n3A_179] : memref<16384xf32, #tpu.memory_space<vmem>>[vector<16xi32>], vector<16xf32>,
        %exp3A_181 = math.exp %gather3A_180 : vector<16xf32>
        %add3A_182 = arith.addf %scan3A_153, %exp3A_181 : vector<16xf32>
        %add3A_183 = arith.constant 2 : i32
        %add3A_184 = arith.addi %add3A_159, %add3A_183 : i32
        %add3A_185 = vector.broadcast %add3A_184 : i32 to vector<16xi32>
        %add3A_186 = arith.addi %add3A_56, %add3A_185 : vector<16xi32>
        %ge3A_187 = arith.cmpi sge, %add3A_186, %add3A_59 : vector<16xi32>
        %sub3A_188 = arith.constant 128 : i32
        %sub3A_189 = vector.broadcast %sub3A_188 : i32 to vector<16xi32>
        %sub3A_190 = arith.subi %add3A_186, %sub3A_189 : vector<16xi32>
        %select_n3A_191 = arith.select %ge3A_187, %sub3A_190, %add3A_186 : vector<16xi1>, vector<16xi32>
        %gather3A_192 = tpu.vector_load_idx %arg6[%select_n3A_191] : memref<16384xf32, #tpu.memory_space<vmem>>[vector<16xi32>], vector<16xf32>,
        %exp3A_193 = math.exp %gather3A_192 : vector<16xf32>
        %add3A_194 = arith.addf %scan3A_154, %exp3A_193 : vector<16xf32>
        %add3A_195 = arith.constant 3 : i32
        %add3A_196 = arith.addi %add3A_159, %add3A_195 : i32
        %add3A_197 = vector.broadcast %add3A_196 : i32 to vector<16xi32>
        %add3A_198 = arith.addi %add3A_56, %add3A_197 : vector<16xi32>
        %ge3A_199 = arith.cmpi sge, %add3A_198, %add3A_59 : vector<16xi32>
        %sub3A_200 = arith.constant 128 : i32
        %sub3A_201 = vector.broadcast %sub3A_200 : i32 to vector<16xi32>
        %sub3A_202 = arith.subi %add3A_198, %sub3A_201 : vector<16xi32>
        %select_n3A_203 = arith.select %ge3A_199, %sub3A_202, %add3A_198 : vector<16xi1>, vector<16xi32>
        %gather3A_204 = tpu.vector_load_idx %arg6[%select_n3A_203] : memref<16384xf32, #tpu.memory_space<vmem>>[vector<16xi32>], vector<16xf32>,
        %exp3A_205 = math.exp %gather3A_204 : vector<16xf32>
        %add3A_206 = arith.addf %scan3A_155, %exp3A_205 : vector<16xf32>
        scf.yield %add3A_170, %add3A_182, %add3A_194, %add3A_206 : vector<16xf32>, vector<16xf32>, vector<16xf32>, vector<16xf32>
      }
      %scan3A_73 = arith.constant 4 : i32
      %add3A_74 = arith.addf %scan3A_72#0, %scan3A_72#1 : vector<16xf32>
      %add3A_75 = arith.addf %scan3A_72#2, %scan3A_72#3 : vector<16xf32>
      %add3A_76 = arith.addf %add3A_74, %add3A_75 : vector<16xf32>
      %mul3A_77 = arith.constant 16 : i32
      %mul3A_78 = arith.muli %scan3A_43, %mul3A_77 : i32
      %add3A_79 = vector.broadcast %mul3A_78 : i32 to vector<16xi32>
      %add3A_80 = arith.addi %add3A_79, %iota3A : vector<16xi32>
      %gather3A = tpu.vector_load_idx %arg7[%add3A_80] : memref<128xi32, #tpu.memory_space<vmem>>[vector<16xi32>], vector<16xi32>,
      %eq3A_81 = arith.constant -100 : i32
      %eq3A_82 = vector.broadcast %eq3A_81 : i32 to vector<16xi32>
      %eq3A_83 = arith.cmpi eq, %gather3A, %eq3A_82 : vector<16xi32>
      %jit3A = arith.constant 0 : i32
      %broadcast_in_dim3A_84 = vector.broadcast %jit3A : i32 to vector<16xi32>
      %select_n3A_85 = arith.select %eq3A_83, %broadcast_in_dim3A_84, %gather3A : vector<16xi1>, vector<16xi32>
      %add3A_86 = arith.addi %mul3A_55, %select_n3A_85 : vector<16xi32>
      %gather3A_87 = tpu.vector_load_idx %arg6[%add3A_86] : memref<16384xf32, #tpu.memory_space<vmem>>[vector<16xi32>], vector<16xf32>,
      %exp3A = math.exp %gather3A_87 : vector<16xf32>
      %div3A = arith.divf %exp3A, %add3A_76 : vector<16xf32>
      %add3A_88 = arith.constant 1.000000e-10 : f32
      %add3A_89 = vector.broadcast %add3A_88 : f32 to vector<16xf32>
      %add3A_90 = arith.addf %div3A, %add3A_89 : vector<16xf32>
      %sub3A = arith.constant 1.000000e+00 : f32
      %sub3A_91 = vector.broadcast %sub3A : f32 to vector<16xf32>
      %sub3A_92 = arith.subf %sub3A_91, %add3A_90 : vector<16xf32>
      %mul3A_93 = arith.mulf %sub3A_92, %sub3A_92 : vector<16xf32>
      %bitcast3A = vector.bitcast %add3A_90 : vector<16xf32> to vector<16xi32>
      %shift_right_logical3A = arith.constant 23 : i32
      %shift_right_logical3A_94 = vector.broadcast %shift_right_logical3A : i32 to vector<16xi32>
      %shift_right_logical3A_95 = arith.shrui %bitcast3A, %shift_right_logical3A_94 : vector<16xi32>
      %sub3A_96 = arith.constant 127 : i32
      %sub3A_97 = vector.broadcast %sub3A_96 : i32 to vector<16xi32>
      %sub3A_98 = arith.subi %shift_right_logical3A_95, %sub3A_97 : vector<16xi32>
      %and3A = arith.constant 8388607 : i32
      %and3A_99 = vector.broadcast %and3A : i32 to vector<16xi32>
      %and3A_100 = arith.andi %bitcast3A, %and3A_99 : vector<16xi32>
      %or3A = arith.constant 1065353216 : i32
      %or3A_101 = vector.broadcast %or3A : i32 to vector<16xi32>
      %or3A_102 = arith.ori %and3A_100, %or3A_101 : vector<16xi32>
      %bitcast3A_103 = vector.bitcast %or3A_102 : vector<16xi32> to vector<16xf32>
      %gt3A = arith.constant 1.41421354 : f32
      %gt3A_104 = vector.broadcast %gt3A : f32 to vector<16xf32>
      %gt3A_105 = arith.cmpf ogt, %bitcast3A_103, %gt3A_104 : vector<16xf32>
      %mul3A_106 = arith.constant 5.000000e-01 : f32
      %mul3A_107 = vector.broadcast %mul3A_106 : f32 to vector<16xf32>
      %mul3A_108 = arith.mulf %bitcast3A_103, %mul3A_107 : vector<16xf32>
      %select_n3A_109 = arith.select %gt3A_105, %mul3A_108, %bitcast3A_103 : vector<16xi1>, vector<16xf32>
      %jit3A_110 = arith.constant 1 : i32
      %jit3A_111 = arith.constant 0 : i32
      %broadcast_in_dim3A_112 = vector.broadcast %jit3A_110 : i32 to vector<16xi32>
      %broadcast_in_dim3A_113 = vector.broadcast %jit3A_111 : i32 to vector<16xi32>
      %select_n3A_114 = arith.select %gt3A_105, %broadcast_in_dim3A_112, %broadcast_in_dim3A_113 : vector<16xi1>, vector<16xi32>
      %add3A_115 = arith.addi %sub3A_98, %select_n3A_114 : vector<16xi32>
      %sub3A_116 = arith.constant 1.000000e+00 : f32
      %sub3A_117 = vector.broadcast %sub3A_116 : f32 to vector<16xf32>
      %sub3A_118 = arith.subf %select_n3A_109, %sub3A_117 : vector<16xf32>
      %add3A_119 = arith.constant 1.000000e+00 : f32
      %add3A_120 = vector.broadcast %add3A_119 : f32 to vector<16xf32>
      %add3A_121 = arith.addf %select_n3A_109, %add3A_120 : vector<16xf32>
      %div3A_122 = arith.divf %sub3A_118, %add3A_121 : vector<16xf32>
      %mul3A_123 = arith.mulf %div3A_122, %div3A_122 : vector<16xf32>
      %mul3A_124 = arith.constant 2.000000e+00 : f32
      %mul3A_125 = vector.broadcast %mul3A_124 : f32 to vector<16xf32>
      %mul3A_126 = arith.mulf %mul3A_125, %div3A_122 : vector<16xf32>
      %mul3A_127 = arith.constant 0.142857149 : f32
      %mul3A_128 = vector.broadcast %mul3A_127 : f32 to vector<16xf32>
      %mul3A_129 = arith.mulf %mul3A_123, %mul3A_128 : vector<16xf32>
      %add3A_130 = arith.constant 2.000000e-01 : f32
      %add3A_131 = vector.broadcast %add3A_130 : f32 to vector<16xf32>
      %add3A_132 = arith.addf %add3A_131, %mul3A_129 : vector<16xf32>
      %mul3A_133 = arith.mulf %mul3A_123, %add3A_132 : vector<16xf32>
      %add3A_134 = arith.constant 0.333333343 : f32
      %add3A_135 = vector.broadcast %add3A_134 : f32 to vector<16xf32>
      %add3A_136 = arith.addf %add3A_135, %mul3A_133 : vector<16xf32>
      %mul3A_137 = arith.mulf %mul3A_123, %add3A_136 : vector<16xf32>
      %add3A_138 = arith.constant 1.000000e+00 : f32
      %add3A_139 = vector.broadcast %add3A_138 : f32 to vector<16xf32>
      %add3A_140 = arith.addf %add3A_139, %mul3A_137 : vector<16xf32>
      %mul3A_141 = arith.mulf %mul3A_126, %add3A_140 : vector<16xf32>
      %convert_element_type3A_142 = arith.sitofp %add3A_115 : vector<16xi32> to vector<16xf32>
      %mul3A_143 = arith.constant 0.693147182 : f32
      %mul3A_144 = vector.broadcast %mul3A_143 : f32 to vector<16xf32>
      %mul3A_145 = arith.mulf %convert_element_type3A_142, %mul3A_144 : vector<16xf32>
      %add3A_146 = arith.addf %mul3A_145, %mul3A_141 : vector<16xf32>
      %mul3A_147 = arith.mulf %mul3A_93, %add3A_146 : vector<16xf32>
      %add3A_148 = arith.addf %scan3A_44, %mul3A_147 : vector<16xf32>
      %gather3A_149 = tpu.vector_load_idx %arg8[%select_n3A_85] : memref<128xf32, #tpu.memory_space<vmem>>[vector<16xi32>], vector<16xf32>,
      %add3A_150 = arith.addf %scan3A_45, %gather3A_149 : vector<16xf32>
      scf.yield %add3A_148, %add3A_150 : vector<16xf32>, vector<16xf32>
    }
    %scan3A_30 = arith.constant 8 : i32
    %reduce_sum3A = arith.constant true
    %reduce_sum3A_31 = vector.broadcast %reduce_sum3A : i1 to vector<16xi1>
    %reduce_sum3A_32 = tpu.scan <sum>, %scan3A_29#0 masked %reduce_sum3A_31 : vector<16xf32>, vector<16xi1> -> vector<16xf32>
    %reduce_sum3A_33 = vector.extract %reduce_sum3A_32[15] : f32 from vector<16xf32>
    %reduce_sum3A_34 = arith.constant true
    %reduce_sum3A_35 = vector.broadcast %reduce_sum3A_34 : i1 to vector<16xi1>
    %reduce_sum3A_36 = tpu.scan <sum>, %scan3A_29#1 masked %reduce_sum3A_35 : vector<16xf32>, vector<16xi1> -> vector<16xf32>
    %reduce_sum3A_37 = vector.extract %reduce_sum3A_36[15] : f32 from vector<16xf32>
    %eq3A = arith.constant 1 : i32
    %eq3A_38 = vector.broadcast %eq3A : i32 to vector<16xi32>
    %eq3A_39 = arith.cmpi eq, %iota3A, %eq3A_38 : vector<16xi32>
    %broadcast_in_dim3A_40 = vector.broadcast %reduce_sum3A_37 : f32 to vector<16xf32>
    %broadcast_in_dim3A_41 = vector.broadcast %reduce_sum3A_33 : f32 to vector<16xf32>
    %select_n3A = arith.select %eq3A_39, %broadcast_in_dim3A_40, %broadcast_in_dim3A_41 : vector<16xi1>, vector<16xf32>
    %swap3A = arith.constant 0 : index
    %swap3A_42 = tpu.vector_load %arg9[%swap3A] {strides = array<i32>} : memref<16xf32, #tpu.memory_space<vmem>>, vector<16xf32>,
    tpu.vector_store %arg9[%swap3A], %select_n3A {strides = array<i32>} : memref<16xf32, #tpu.memory_space<vmem>>, vector<16xf32>,
    "tpu.region"() ({
      %run_scoped3A = tpu.sem_alloc : memref<!tpu.dma_semaphore, #tpu.memory_space<semaphore_mem>>
      %dma_start3A_43 = arith.constant 0 : i32
      %dma_start3A_44 = tpu.memref_slice %arg5[%add3A, %dma_start3A_43] : memref<32x16xf32, #tpu.memory_space<hbm>> -> memref<1x16xf32, #tpu.memory_space<hbm>>
      %dma_start3A_45 = tpu.memref_squeeze %dma_start3A_44 : memref<1x16xf32, #tpu.memory_space<hbm>> -> memref<16xf32, #tpu.memory_space<hbm>>
      %dma_start3A_46 = arith.constant 0 : i32
      %dma_start3A_47 = tpu.memref_slice %arg5[%add3A, %dma_start3A_46] : memref<32x16xf32, #tpu.memory_space<hbm>> -> memref<1x16xf32, #tpu.memory_space<hbm>>
      %dma_start3A_48 = tpu.memref_squeeze %dma_start3A_47 : memref<1x16xf32, #tpu.memory_space<hbm>> -> memref<16xf32, #tpu.memory_space<hbm>>
      tpu.enqueue_dma source(%arg9 : memref<16xf32, #tpu.memory_space<vmem>>) target(%dma_start3A_48 : memref<16xf32, #tpu.memory_space<hbm>>) target_semaphore(%run_scoped3A : memref<!tpu.dma_semaphore, #tpu.memory_space<semaphore_mem>>)
      %dma_wait3A_49 = arith.constant 0 : i32
      %dma_wait3A_50 = tpu.memref_slice %arg5[%add3A, %dma_wait3A_49] : memref<32x16xf32, #tpu.memory_space<hbm>> -> memref<1x16xf32, #tpu.memory_space<hbm>>
      %dma_wait3A_51 = tpu.memref_squeeze %dma_wait3A_50 : memref<1x16xf32, #tpu.memory_space<hbm>> -> memref<16xf32, #tpu.memory_space<hbm>>
      %dma_wait3A_52 = arith.constant 0 : i32
      %dma_wait3A_53 = tpu.memref_slice %arg5[%add3A, %dma_wait3A_52] : memref<32x16xf32, #tpu.memory_space<hbm>> -> memref<1x16xf32, #tpu.memory_space<hbm>>
      %dma_wait3A_54 = tpu.memref_squeeze %dma_wait3A_53 : memref<1x16xf32, #tpu.memory_space<hbm>> -> memref<16xf32, #tpu.memory_space<hbm>>
      tpu.wait_dma2 semaphore(%run_scoped3A : memref<!tpu.dma_semaphore, #tpu.memory_space<semaphore_mem>>) src(%arg9 : memref<16xf32, #tpu.memory_space<vmem>>) dst(%dma_wait3A_54 : memref<16xf32, #tpu.memory_space<hbm>>)
      tpu.yield
    }) : () -> ()
    return
  }
}

</mosaic_0001>

<sc_bundles>
// kernel: kernel.3.cloned.1.call-start
scs
__scs_entry_jumppad:
0x0: {  	(pc) =	sbr.rel $0x88, $3  }
0x1: {  	(tag) =	ssettag $0x0;
	lr =	simm.s32 $0x1  }
0x2: {  	[smem:$0x3F9E] =	sst lr;
	_ =	strace $0xD0000000  }
0x3: {  	_ = 	snop  }
0x4: {  	_ = 	snop  }
0x5: {  	_ = 	snop  }
0x6: {  	_ = 	snop  }
0x7: {  	_ = 	snop  }
__scs_overlays_trampoline_lowered:
0x8: {  	[smem:$0x3FAD] =	sst s0  }
0x9: {  	[smem:$0x3FAE] =	sst s1  }
0xa: {  	[smem:$0x3FAF] =	sst s2  }
0xb: {  	[smem:$0x3FB0] =	sst s3  }
0xc: {  	[smem:$0x3FB1] =	sst s4  }
0xd: {  	[smem:$0x3FB2] =	sst s5  }
0xe: {  	[smem:$0x3FB3] =	sst s6  }
0xf: {  	[smem:$0x3FB4] =	sst s7  }
0x10: {  	[smem:$0x3FB5] =	sst s8  }
0x11: {  	[smem:$0x3FB6] =	sst s9;
	s0 =	simm.s32 @!p0 $0x0  }
0x12: {  	s1 =	sld [smem:$0x3F9C];
	s0 =	simm.s32 @p0 $0x1  }
0x13: {  	[smem:$0x3FB7] =	sst s0;
	s0 =	simm.s32 @!p1 $0x0  }
0x14: {  	s2 =	sld [smem:$0x3F9B];
	s0 =	simm.s32 @p1 $0x1  }
0x15: {  	[smem:$0x3FB8] =	sst s0;
	s0 =	simm.s32 @!p2 $0x0  }
0x16: {  	s3 =	sld [smem:$0x3FDB];
	s0 =	simm.s32 @p2 $0x1  }
0x17: {  	s4 =	simm.s32 $0x1BF5;
	[smem:$0x3FBA] =	sst s0  }
0x18: {  	s0 =	sld [smem:$0x3F9D];
	_ =	swait.ge [sflag:s4], $0x0  }
0x19: {  	s7 =	sld [smem:$0x3F9E]  }
0x1a: {  	s8 =	sadd.s32 $0xFFFFE003, lr  }
0x1b: {  	s9 =	sadd.s32 $0xFFFFFEF7, lr;
	s5 =	simm.s32 $0xFFFFFFFF;
	p2 =	slt.u32 s8, $0xFFFFF086  }
0x1c: {  	p1 =	slt.u32 s9, $0xF7A;
	s5 =	simm.s32 @!p2 $0x0  }
0x1d: {  	s5 =	simm.s32 @p1 $0x1;
	p0 =	seq.s32 s7, s2  }
0x1e: {  	s7 =	smul.u32 @!p0 $0xF7A, s2;
	p2 =	seq.s32 @!p0 s5, $0x0  }
0x1f: {  	s9 =	smul.u32 $0xF7A, s1;
	s8 =	simm.s32 @!p0 $0x1BF5;
	p2 =	por !p2, p0  }
0x20: {  	[sflag:s8] =	ssyncset.s32 @!p0 $0xFFFFF086;
	s6 =	sadd.s32 @!p0 s3, s7;
	s7 =	simm.s32 @!p0 $0x108  }
0x21: {  	s3 =	sadd.s32 s3, s9;
	s6 =	sadd.s32 @!p0 $0x88, s6;
	s7 =	simm.s32 @p2 $0x1082  }
0x22: {  	[simem:s7], [sflag:s8] =	dma.local @!p0 [hbm:s6], $0xF7A  }
0x23: {  	s9 =	sor.u32 $0xD0000000, s2;
	s6 =	simm.s32 $0x108;
	_ =	swait.ge @!p0 [sflag:s8], $0x0  }
0x24: {  	s3 =	sadd.s32 $0x88, s3;
	s6 =	simm.s32 @!p1 $0x1082;
	[sflag:s4] =	ssyncset.s32 $0xFFFFF086  }
0x25: {  	[simem:s6], [sflag:s4] =	dma.local [hbm:s3], $0xF7A  }
0x26: {  	[smem:$0x3F9E] =	sst s1;
	(tag) =	ssettag s2;
	_ =	strace s9  }
0x27: {  	s1 =	sld [smem:$0x3FAE]  }
0x28: {  	s2 =	sld [smem:$0x3FAF]  }
0x29: {  	s4 =	sld [smem:$0x3FB1]  }
0x2a: {  	p0 =	seq.s32 s5, $0x0;
	s5 =	sld [smem:$0x3FB2]  }
0x2b: {  	s6 =	sld [smem:$0x3FB3]  }
0x2c: {  	s7 =	sld [smem:$0x3FB4]  }
0x2d: {  	s3 =	simm.s32 $0x108;
	s8 =	sld [smem:$0x3FB5]  }
0x2e: {  	s3 =	simm.s32 @!p0 $0x1082;
	s9 =	sld [smem:$0x3FB6]  }
0x2f: {  	lr =	sadd.s32 s0, s3;
	s0 =	sld [smem:$0x3FAD]  }
0x30: {  	s3 =	sld [smem:$0x3FB0]  }
0x31: {  	[smem:$0x3FB9] =	sst s10  }
0x32: {  	s10 =	sld [smem:$0x3FB7];
	_ =	sdelay $0x3  }
0x33: {  	p0 =	seq.s32 s10, $0x1;
	s10 =	sld [smem:$0x3FB9];
	_ =	sdelay $0x3  }
0x34: {  	[smem:$0x3FB9] =	sst s10  }
0x35: {  	s10 =	sld [smem:$0x3FB8];
	_ =	sdelay $0x3  }
0x36: {  	p1 =	seq.s32 s10, $0x1;
	s10 =	sld [smem:$0x3FB9];
	_ =	sdelay $0x3  }
0x37: {  	[smem:$0x3FB9] =	sst s10  }
0x38: {  	s10 =	sld [smem:$0x3FBA]  }
0x39: {  	_ = 	snop;
	(pc) =	sbr.ind lr, $3  }
0x3a: {  	_ = 	snop  }
0x3b: {  	_ = 	snop  }
0x3c: {  	p2 =	seq.s32 s10, $0x1;
	s10 =	sld [smem:$0x3FB9]  }
0x3d: {  	_ =	shalt  }
0x3e: {  	_ =	shalt  }
0x3f: {  	_ =	shalt  }
0x40: {  	_ =	shalt  }
0x41: {  	_ =	shalt  }
0x42: {  	_ =	shalt  }
0x43: {  	_ =	shalt  }
0x44: {  	_ =	shalt  }
0x45: {  	_ =	shalt  }
0x46: {  	_ =	shalt  }
0x47: {  	_ =	shalt  }
0x48: {  	_ =	shalt  }
0x49: {  	_ =	shalt  }
0x4a: {  	_ =	shalt  }
0x4b: {  	_ =	shalt  }
0x4c: {  	_ =	shalt  }
0x4d: {  	_ =	shalt  }
0x4e: {  	_ =	shalt  }
0x4f: {  	_ =	shalt  }
0x50: {  	_ =	shalt  }
0x51: {  	_ =	shalt  }
0x52: {  	_ =	shalt  }
0x53: {  	_ =	shalt  }
0x54: {  	_ =	shalt  }
0x55: {  	_ =	shalt  }
0x56: {  	_ =	shalt  }
0x57: {  	_ =	shalt  }
0x58: {  	_ =	shalt  }
0x59: {  	_ =	shalt  }
0x5a: {  	_ =	shalt  }
0x5b: {  	_ =	shalt  }
0x5c: {  	_ =	shalt  }
0x5d: {  	_ =	shalt  }
0x5e: {  	_ =	shalt  }
0x5f: {  	_ =	shalt  }
0x60: {  	_ =	shalt  }
0x61: {  	_ =	shalt  }
0x62: {  	_ =	shalt  }
0x63: {  	_ =	shalt  }
0x64: {  	_ =	shalt  }
0x65: {  	_ =	shalt  }
0x66: {  	_ =	shalt  }
0x67: {  	_ =	shalt  }
0x68: {  	_ =	shalt  }
0x69: {  	_ =	shalt  }
0x6a: {  	_ =	shalt  }
0x6b: {  	_ =	shalt  }
0x6c: {  	_ =	shalt  }
0x6d: {  	_ =	shalt  }
0x6e: {  	_ =	shalt  }
0x6f: {  	_ =	shalt  }
0x70: {  	_ =	shalt  }
0x71: {  	_ =	shalt  }
0x72: {  	_ =	shalt  }
0x73: {  	_ =	shalt  }
0x74: {  	_ =	shalt  }
0x75: {  	_ =	shalt  }
0x76: {  	_ =	shalt  }
0x77: {  	_ =	shalt  }
0x78: {  	_ =	shalt  }
0x79: {  	_ =	shalt  }
0x7a: {  	_ =	shalt  }
0x7b: {  	_ =	shalt  }
0x7c: {  	_ =	shalt  }
0x7d: {  	_ =	shalt  }
0x7e: {  	_ =	shalt  }
0x7f: {  	_ =	shalt  }
0x80: {  	_ =	shalt  }
0x81: {  	_ =	shalt  }
0x82: {  	_ =	shalt  }
0x83: {  	_ =	shalt  }
0x84: {  	_ =	shalt  }
0x85: {  	_ =	shalt  }
0x86: {  	_ =	shalt  }
0x87: {  	_ =	shalt  }
.Lfunc_end0:
.L_simem_size_0:
called_computation_lowered:
.L_overlay_start_0:
0x88: {  	s2 =	sld [smem:$0x3FD9]  }
0x89: {  	s3 =	sld [smem:$0x3FFE];
	_ =	sdelay $0x1  }
0x8a: {  	s1 =	srdreg.scid  }
0x8b: {  	s0 =	sand.u32 $0x1, s1  }
0x8c: {  	s17 =	sshll.u32 s0, $0xA;
	s2 =	sadd.s32 s3, s2  }
0x8d: {  	s2 =	sadd.s32 s2, s17  }
0x8e: {  	[smem:$0x3FC5] =	sst s2  }
0x8f: {  	_ = 	snop  }
0x90: {  	s2 =	sld [smem:$0x3FC9]  }
0x91: {  	s18 =	sld [smem:$0x3FC7];
	(tm) =	ssettm $0x1  }
0x92: {  	s4 =	sld [smem:$0x3FFB];
	_ =	sdelay $0x3  }
0x93: {  	_ =	strace s4  }
0x94: {  	s4 =	sld [smem:$0x3FFC];
	_ =	sdelay $0x3  }
0x95: {  	_ =	strace s4  }
0x96: {  	s4 =	sld [smem:$0x3FFD];
	_ =	sdelay $0x3  }
0x97: {  	_ =	strace s4  }
0x98: {  	_ =	strace $0x8FFFFFFF  }
0x99: {  	s19 =	sld [smem:$0x3FDB];
	_ =	sdelay $0x1  }
0x9a: {  	s5 =	simm.s32 $_scs_section_size  }
0x9b: {  	s6 =	simm.s32 $_size__tile_overlayer_lowered;
	s7 =	simm.s32 $_tile_overlayer_lowered  }
0x9c: {  	s22 =	simm.s32 $0x1BFF;
	s21 =	sshll.u32 s7, $0x1;
	s4 =	sadd.s32 s5, s19  }
0x9d: {  	s8 =	simm.s32 $0x0;
	s20 =	sshll.u32 s6, $0x1;
	s6 =	sadd.s32 s21, s4  }
0x9e: {  	[timem:s8], [sflag:s22] =	dma.local [hbm:s6], s20  }
0x9f: {  	_ =	swait.ge [sflag:s22], s20  }
0xa0: {  	s5 =	ssub.s32 $0x0, s20;
	[sflag:s22] =	ssyncset.done $0x0  }
0xa1: {  	[sflag:s22] =	ssyncadd.s32 s5;
	_ =	sdelay $0x1  }
0xa2: {  	s23 =	simm.s32 $0x1B8B  }
0xa3: {  	_ =	swait.ge [sflag:s23], $0x1  }
0xa4: {  	[sflag:s23] =	ssyncset.done $0x0  }
0xa5: {  	s25 =	simm.s32 $0x1B8E;
	s24 =	sld [smem:$0x3FFE];
	[sflag:s23] =	ssyncadd.s32 $0xFFFFFFFF  }
0xa6: {  	s26 =	simm.s32 $execute0_lowered;
	[smem:$0x3FD2] =	sst s25  }
0xa7: {  	s6 =	sshll.u32 s26, $0x1;
	_ =	strace $0x80000046;
	[dreg:$0x1] =	wrdreg $0xFFFFFFFF  }
0xa8: {  	s28 =	simm.s32 $_size_execute0_lowered;
	s4 =	sadd.s32 s4, s6;
	[dreg:$0x0] =	wrdreg $0x0  }
0xa9: {  	s6 =	sshll.u32 s28, $0x1;
	[dreg:$0x2] =	wrdreg s4  }
0xaa: {  	[dreg:$0x3] =	wrdreg s6  }
0xab: {  	[dreg:$0x4] =	wrdreg $0xC0  }
0xac: {  	_ =	task [dreg:s8], $0x5FFFF  }
0xad: {  	[dreg:$0x1] =	wrdreg $0xFFFFFFFF  }
0xae: {  	[dreg:$0x0] =	wrdreg $0x60  }
0xaf: {  	[dreg:$0x2] =	wrdreg s2  }
0xb0: {  	[dreg:$0x3] =	wrdreg s24  }
0xb1: {  	[dreg:$0x4] =	wrdreg s18  }
0xb2: {  	[dreg:$0x5] =	wrdreg $0x9  }
0xb3: {  	_ =	task.clear_ibuf [dreg:s8], $0x6FFFF;
	_ =	strace $0x90000046  }
0xb4: {  	s29 =	simm.s32 $0x9;
	_ =	strace $0x80000048  }
0xb5: {  	_ =	swait.ge [sflag:s29], $0x1  }
0xb6: {  	[sflag:s29] =	ssyncadd.s32 $0xFFFFFFFF  }
0xb7: {  	_ =	strace $0x90000048  }
0xb8: {  	_ =	sfence  }
0xb9: {  	s30 =	sld [smem:$0x0];
	_ =	sdelay $0x2  }
0xba: {  	s31 =	sshll.u32 s1, $0xD;
	s1 =	sshrl.u32 s1, $0x2  }
0xbb: {  	s3 =	sand.u32 $0x4000, s31;
	s1 =	sadd.s32 s1, s30  }
0xbc: {  	s0 =	sor.u32 s3, s0;
	s1 =	sshll.u32 s1, $0x11  }
0xbd: {  	s0 =	sor.u32 s1, s0  }
0xbe: {  	s0 =	sadd.s32 $0x8F2B, s0  }
0xbf: {  	[sflag:s0] =	ssyncadd.remote.s32 $0x1  }
0xc0: {  	_ =	sfence.sel $0xFFFF  }
0xc1: {  	[dreg:$0x0] =	wrdreg $0xFFFFFFFF;
	(pc) =	sbr.abs _section_cstart, $3  }
0xc2: {  	[dreg:$0x1] =	wrdreg $0xFFFFFFFF  }
0xc3: {  	_ =	task.clear_ibuf [dreg:s8], $0x2FFFF;
	_ =	strace $0x9FFFFFFF  }
0xc4: {  	(tm) =	ssettm $0x7FFFFFFF  }
0xc5: {  	_ =	shalt  }
tec
execute0_lowered:
.L_overlay_start_1:
0x0: {  	(tag) =	ssettag $0x1  }
0x1: {  	s4 =	rddreg [dreg:$0x0]  }
0x2: {  	s6 =	rddreg [dreg:$0x1]  }
0x3: {  	s2 =	rddreg [dreg:$0x2]  }
0x4: {  	s0 =	rddreg [dreg:$0x3];
	s5 =	srdreg.scid  }
0x5: {  	s1 =	stileid.u32;
	s3 =	simm.s32 $0x0;
	s10 =	simm.s32 $0x4000  }
0x6: {  	s11 =	simm.s32 $0x3;
	s12 =	simm.s32 $0x4080;
	s13 =	simm.s32 $0x1  }
0x7: {  	s14 =	simm.s32 $0x4100;
	s5 =	sand.u32 $0x1, s5;
	s7 =	sshll.u32 s1, $0x1  }
0x8: {  	s15 =	simm.s32 $0x0;
	[smem:$0x7FF] =	sst s3;
	s7 =	sor.u32 s5, s7  }
0x9: {  	_ =	strace $0x80000047;
	s5 =	ssub.s32 $0x2, s5;
	s8 =	sshll.u32 s7, $0xB  }
0xa: {  	s9 =	sshrl.u32 s5, $0x1;
	s7 =	sshll.u32 s7, $0x4;
	s4 =	sadd.s32 s4, s8  }
0xb: {  	s31 =	ssub.s32 s5, s9;
	s6 =	sadd.s32 s6, s7;
	s9 =	simm.s32 $0x2000  }
0xc: {  	v0 =	vlaneseq.u32;
	v1 =	vimm.s32 $0x0;
	vm0 =	vcmask $0x308;
	s5 =	sadd.s32 $0x400, s4;
	s7 =	sadd.s32 $0x200, s6;
	s8 =	smax.u32 s31, $0x1  }
.LBB2_1:
0xd: {  	[tilespmem:s3], [sflag:$0x1] =	stream.linear.gather [hbm4b:s4+s3], $0x2000, $0x38;
	[tilespmem:$0x4180] =	vst v63  }
0xe: {  	_ = 	snop  }
0xf: {  	[tilespmem:s9], [sflag:$0x2] =	stream.linear.gather [hbm4b:s5+s3], $0x2000, $0x38;
	[tilespmem:$0x4180] =	vst v63  }
0x10: {  	_ = 	snop  }
0x11: {  	[tilespmem:s10], [sflag:$0x3] =	stream.linear.gather [hbm4b:s6+s3], $0x80, $0x38;
	[tilespmem:$0x4180] =	vst v63  }
0x12: {  	_ =	swait.ge [sflag:s11], $0x80  }
0x13: {  	[sflag:s11] =	ssyncset.done $0x0  }
0x14: {  	[sflag:s11] =	ssyncadd.s32 $0xFFFFFF80  }
0x15: {  	[tilespmem:s12], [sflag:$0x3] =	stream.linear.gather [hbm4b:s2+s3], $0x80, $0x38;
	[tilespmem:$0x4180] =	vst v63  }
0x16: {  	_ =	swait.ge [sflag:s11], $0x80  }
0x17: {  	[sflag:s11] =	ssyncset.done $0x0  }
0x18: {  	[sflag:s11] =	ssyncadd.s32 $0xFFFFFF80  }
0x19: {  	_ =	swait.ge [sflag:s13], $0x2000  }
0x1a: {  	[sflag:s13] =	ssyncset.done $0x0  }
0x1b: {  	v2 =	vimm.f32 $0.0e+00;
	v3 =	vimm.f32 $0.0e+00;
	s16 =	simm.s32 $0x0;
	[sflag:s13] =	ssyncadd.s32 $0xFFFFE000  }
.LBB2_2:
0x1c: {  	s17 =	sshll.u32 s16, $0x4  }
0x1d: {  	v5 =	vor.u32 s17, v0  }
0x1e: {  	v4 =	vshll.u32 v5, $0x7  }
0x1f: {  	s21 =	simm.s32 $0x7;
	v6 =	vor.u32 v0, v4  }
0x20: {  	p0 =	sne.s32 s16, $0x4;
	v7 =	vadd.s32 s21, v6  }
0x21: {  	s18 =	simm.s32 $0x3;
	s17 =	simm.s32 @!p0 $0x2  }
0x22: {  	s19 =	simm.s32 $0x2;
	_ =	swait.ge @!p0 [sflag:s17], $0x2000;
	v8 =	vadd.s32 s18, v6  }
0x23: {  	s22 =	simm.s32 $0x1;
	[sflag:s17] =	ssyncset.done @!p0 $0x0;
	v9 =	vadd.s32 s19, v6  }
0x24: {  	s23 =	simm.s32 $0x0;
	v10 =	vadd.s32 s22, v6;
	[sflag:s17] =	ssyncadd.s32 @!p0 $0xFFFFE000  }
0x25: {  	s24 =	simm.s32 $0x5;
	v11 =	vadd.s32 s23, v6;
	v7 =	vld.idx.msk [tilespmem:v7+s3+$0x0], $0xffff  }
0x26: {  	s26 =	simm.s32 $0x6;
	v12 =	vadd.s32 s24, v6  }
0x27: {  	s25 =	simm.s32 $0x4;
	v14 =	vadd.s32 s26, v6;
	v8 =	vld.idx.msk [tilespmem:v8+s3+$0x0], $0xffff  }
0x28: {  	s28 =	simm.s32 $0xF;
	v13 =	vadd.s32 s25, v6;
	v9 =	vld.idx.msk [tilespmem:v9+s3+$0x0], $0xffff  }
0x29: {  	s29 =	simm.s32 $0xB;
	v15 =	vadd.s32 s28, v6;
	v10 =	vld.idx.msk [tilespmem:v10+s3+$0x0], $0xffff  }
0x2a: {  	s30 =	simm.s32 $0xA;
	v16 =	vadd.s32 s29, v6;
	v11 =	vld.idx.msk [tilespmem:v11+s3+$0x0], $0xffff;
	v7 =	vmul.f32 $1.442695020e+00, v7  }
0x2b: {  	s31 =	simm.s32 $0x9;
	v17 =	vadd.s32 s30, v6;
	v12 =	vld.idx.msk [tilespmem:v12+s3+$0x0], $0xffff  }
0x2c: {  	v14 =	vld.idx.msk [tilespmem:v14+s3+$0x0], $0xffff;
	v8 =	vmul.f32 $1.442695020e+00, v8;
	(erf) = vpow2.f32 v7;
	v7 =	vadd.s32 s31, v6  }
0x2d: {  	v13 =	vld.idx.msk [tilespmem:v13+s3+$0x0], $0xffff;
	v9 =	vmul.f32 $1.442695020e+00, v9  }
0x2e: {  	s19 =	simm.s32 $0xE;
	v15 =	vld.idx.msk [tilespmem:v15+s3+$0x0], $0xffff;
	v10 =	vmul.f32 $1.442695020e+00, v10;
	(erf) = vpow2.f32 v8  }
0x2f: {  	s20 =	simm.s32 $0xD;
	v16 =	vld.idx.msk [tilespmem:v16+s3+$0x0], $0xffff;
	v11 =	vmul.f32 $1.442695020e+00, v11;
	v8 =	vadd.s32 s19, v6;
	(erf) = vpow2.f32 v9  }
0x30: {  	s21 =	simm.s32 $0x8;
	v17 =	vld.idx.msk [tilespmem:v17+s3+$0x0], $0xffff;
	v12 =	vmul.f32 $1.442695020e+00, v12;
	v9 =	vadd.s32 s20, v6;
	(erf) = vpow2.f32 v10  }
0x31: {  	s22 =	simm.s32 $0xC;
	v10 =	vadd.s32 s21, v6;
	(erf) = vpow2.f32 v11;
	v11 =	vmul.f32 $1.442695020e+00, v14;
	v14 =	vld.idx.msk [tilespmem:v7+s3+$0x0], $0xffff  }
0x32: {  	v13 =	vmul.f32 $1.442695020e+00, v13;
	(erf) = vpow2.f32 v12;
	v12 =	vadd.s32 s22, v6  }
0x33: {  	s24 =	simm.s32 $0x13;
	v7 =	vmul.f32 $1.442695020e+00, v15  }
0x34: {  	s23 =	simm.s32 $0x17;
	v19 =	vadd.s32 s24, v6;
	v18 =	vld.idx.msk [tilespmem:v8+s3+$0x0], $0xffff;
	(erf) = vpow2.f32 v13;
	v8 =	vmul.f32 $1.442695020e+00, v16  }
0x35: {  	s29 =	simm.s32 $0x15;
	v20 =	vmul.f32 $1.442695020e+00, v17;
	v13 =	vadd.s32 s23, v6;
	v9 =	vld.idx.msk [tilespmem:v9+s3+$0x0], $0xffff;
	(erf) = vpow2.f32 v11  }
0x36: {  	s25 =	simm.s32 $0x12;
	s30 =	simm.s32 $0x10;
	v21 =	vadd.s32 s29, v6;
	v10 =	vld.idx.msk [tilespmem:v10+s3+$0x0], $0xffff;
	(erf) = vpow2.f32 v7;
	v23 =	vmul.f32 $1.442695020e+00, v14  }
0x37: {  	s26 =	simm.s32 $0x11;
	s28 =	simm.s32 $0x16;
	v24 =	vadd.s32 s30, v6;
	v16 =	vadd.s32 s25, v6;
	v7 =	vpop (erf);
	(erf) = vpow2.f32 v8;
	v22 =	vld.idx.msk [tilespmem:v12+s3+$0x0], $0xffff  }
0x38: {  	v17 =	vadd.s32 s26, v6;
	s31 =	simm.s32 $0x14;
	v15 =	vadd.s32 s28, v6;
	v8 =	vpop (erf);
	(erf) = vpow2.f32 v20  }
0x39: {  	v12 =	vimm.f32 $0.0e+00;
	v11 =	vmul.f32 $1.442695020e+00, v18;
	v14 =	vpop (erf);
	v18 =	vadd.s32 s31, v6  }
0x3a: {  	v20 =	vld.idx.msk [tilespmem:v13+s3+$0x0], $0xffff;
	v13 =	vimm.f32 $0.0e+00;
	v25 =	vmul.f32 $1.442695020e+00, v9;
	(erf) = vpow2.f32 v23;
	v23 =	vpop (erf)  }
0x3b: {  	s17 =	simm.s32 $0x1F;
	v19 =	vld.idx.msk [tilespmem:v19+s3+$0x0], $0xffff;
	v9 =	vimm.f32 $0.0e+00;
	v26 =	vmul.f32 $1.442695020e+00, v10;
	v10 =	vimm.f32 $0.0e+00;
	v27 =	vpop (erf)  }
.LBB2_3:
0x3c: {  	p0 =	sne.s32 s17, $0x6F;
	v28 =	vld.idx.msk [tilespmem:v16+s3+$0x0], $0xffff;
	v16 =	vmul.f32 $1.442695020e+00, v22;
	v13 =	vadd.f32 v27, v13;
	v12 =	vadd.f32 v23, v12;
	v22 =	vpop (erf)  }
0x3d: {  	v10 =	vadd.f32 v14, v10;
	v8 =	vadd.f32 v8, v9;
	v23 =	vld.idx.msk [tilespmem:v17+s3+$0x0], $0xffff;
	(erf) = vpow2.f32 v26;
	v9 =	vpop (erf)  }
0x3e: {  	v26 =	vld.idx.msk [tilespmem:v15+s3+$0x0], $0xffff;
	(erf) = vpow2.f32 v25;
	v13 =	vadd.f32 v9, v13;
	v12 =	vadd.f32 v22, v12;
	v9 =	vpop (erf)  }
0x3f: {  	v25 =	vld.idx.msk [tilespmem:v21+s3+$0x0], $0xffff;
	(erf) = vpow2.f32 v16;
	v10 =	vadd.f32 v9, v10;
	v9 =	vadd.f32 v7, v8  }
0x40: {  	s18 =	sadd.s32 $0xFFFFFFFC, s17;
	v27 =	vadd.s32 s17, v6;
	v15 =	vmul.f32 $1.442695020e+00, v20;
	v29 =	vld.idx.msk [tilespmem:v24+s3+$0x0], $0xffff;
	(erf) = vpow2.f32 v11;
	v7 =	vpop (erf)  }
0x41: {  	s19 =	sadd.s32 $0xFFFFFFFB, s17;
	v30 =	vadd.s32 s18, v6;
	v11 =	vmul.f32 $1.442695020e+00, v19;
	v22 =	vld.idx.msk [tilespmem:v18+s3+$0x0], $0xffff;
	v8 =	vpop (erf)  }
.Ltmp0:
0x42: {  	s18 =	sadd.s32 $0xFFFFFFFA, s17;
	v16 =	vadd.s32 s19, v6;
	v18 =	vmul.f32 $1.442695020e+00, v28;
	(erf) = vpow2.f32 v15;
	v14 =	vpop (erf);
	(pc) =	sbr.rel @p0 .LBB2_3-.Ltmp0, $4  }
0x43: {  	v17 =	vadd.s32 s18, v6;
	s18 =	sadd.s32 $0xFFFFFFFF, s17;
	v19 =	vmul.f32 $1.442695020e+00, v23;
	(erf) = vpow2.f32 v11;
	v23 =	vpop (erf)  }
0x44: {  	s19 =	sadd.s32 $0xFFFFFFFE, s17;
	v15 =	vadd.s32 s18, v6;
	v11 =	vmul.f32 $1.442695020e+00, v26;
	(erf) = vpow2.f32 v18  }
0x45: {  	s20 =	sadd.s32 $0xFFFFFFFD, s17;
	v21 =	vadd.s32 s19, v6;
	s18 =	sadd.s32 $0xFFFFFFF9, s17;
	v25 =	vmul.f32 $1.442695020e+00, v25;
	v20 =	vld.idx.msk [tilespmem:v27+s3+$0x0], $0xffff;
	(erf) = vpow2.f32 v19  }
0x46: {  	s17 =	sadd.s32 $0x8, s17;
	v24 =	vadd.s32 s18, v6;
	v18 =	vadd.s32 s20, v6;
	v26 =	vmul.f32 $1.442695020e+00, v29;
	v19 =	vld.idx.msk [tilespmem:v30+s3+$0x0], $0xffff;
	v27 =	vpop (erf)  }
0x47: {  	_ =	sdelay $0x3  }
0x48: {  	v16 =	vld.idx.msk [tilespmem:v16+s3+$0x0], $0xffff  }
0x49: {  	v22 =	vmul.f32 $1.442695020e+00, v22;
	v17 =	vld.idx.msk [tilespmem:v17+s3+$0x0], $0xffff;
	(erf) = vpow2.f32 v26  }
0x4a: {  	(erf) = vpow2.f32 v25  }
0x4b: {  	v56 =	vpop (erf);
	v18 =	vld.idx.msk [tilespmem:v18+s3+$0x0], $0xffff;
	(erf) = vpow2.f32 v22  }
0x4c: {  	v24 =	vld.idx.msk [tilespmem:v24+s3+$0x0], $0xffff;
	v57 =	vpop (erf);
	v20 =	vmul.f32 $1.442695020e+00, v20;
	(erf) = vpow2.f32 v11  }
0x4d: {  	v21 =	vld.idx.msk [tilespmem:v21+s3+$0x0], $0xffff;
	v11 =	vmul.f32 $1.442695020e+00, v19;
	v16 =	vmul.f32 $1.442695020e+00, v16  }
0x4e: {  	v15 =	vld.idx.msk [tilespmem:v15+s3+$0x0], $0xffff;
	v19 =	vpop (erf);
	(erf) = vpow2.f32 v20;
	v17 =	vmul.f32 $1.442695020e+00, v17  }
0x4f: {  	v13 =	vadd.f32 v27, v13;
	v10 =	vadd.f32 v14, v10;
	v14 =	vpop (erf);
	(erf) = vpow2.f32 v11  }
0x50: {  	v8 =	vadd.f32 v8, v9;
	v18 =	vmul.f32 $1.442695020e+00, v18;
	v9 =	vpop (erf);
	(erf) = vpow2.f32 v16  }
0x51: {  	v12 =	vadd.f32 v23, v12;
	s25 =	simm.s32 $0x73;
	v11 =	vmul.f32 $1.442695020e+00, v24;
	v16 =	vpop (erf);
	(erf) = vpow2.f32 v17  }
0x52: {  	v60 =	vadd.s32 s25, v6;
	v13 =	vadd.f32 v57, v13;
	v58 =	vmul.f32 $1.442695020e+00, v21;
	v17 =	vpop (erf)  }
0x53: {  	v12 =	vadd.f32 v56, v12;
	(erf) = vpow2.f32 v11;
	v11 =	vmul.f32 $1.442695020e+00, v15;
	v15 =	vpop (erf)  }
0x54: {  	v8 =	vadd.f32 v7, v8;
	(erf) = vpow2.f32 v58;
	v13 =	vadd.f32 v15, v13;
	v15 =	vpop (erf)  }
0x55: {  	v7 =	vadd.s32 $0x80, v4;
	v10 =	vadd.f32 v19, v10;
	(erf) = vpow2.f32 v18;
	v18 =	vpop (erf)  }
0x56: {  	s17 =	simm.s32 $0x70;
	v62 =	vadd.s32 $0xFFFFFF80, v60;
	v12 =	vadd.f32 v17, v12;
	(erf) = vpow2.f32 v11;
	v19 =	vpop (erf)  }
0x57: {  	v8 =	vadd.f32 v9, v8;
	v10 =	vadd.f32 v16, v10;
	v11 =	vadd.s32 s17, v6;
	v61 =	vpop (erf)  }
0x58: {  	v12 =	vadd.f32 v15, v12;
	vm1 =	vlt.u32 v11, v7;
	v59 =	vadd.s32 $0xFFFFFF80, v11;
	v16 =	vpop (erf)  }
0x59: {  	v9 =	vadd.f32 v18, v13;
	v11 =	vsel vm1, v11, v59;
	vm1 =	vlt.u32 v60, v7;
	v13 =	vpop (erf)  }
0x5a: {  	v8 =	vadd.f32 v14, v8;
	v17 =	vsel vm1, v60, v62;
	v15 =	vpop (erf)  }
0x5b: {  	s26 =	simm.s32 $0x72;
	v12 =	vadd.f32 v15, v12  }
0x5c: {  	v18 =	vadd.s32 s26, v6;
	v10 =	vadd.f32 v19, v10;
	v14 =	vpop (erf)  }
0x5d: {  	v63 =	vadd.s32 $0xFFFFFF80, v18;
	vm1 =	vlt.u32 v18, v7;
	v9 =	vadd.f32 v14, v9;
	v14 =	vpop (erf)  }
0x5e: {  	s28 =	simm.s32 $0x71;
	v18 =	vsel vm1, v18, v63;
	v10 =	vadd.f32 v13, v10;
	v15 =	vld.idx.msk [tilespmem:v11+s3+$0x0], $0xffff;
	v11 =	vadd.f32 v16, v8;
	v8 =	vpop (erf)  }
0x5f: {  	v13 =	vld.idx.msk [tilespmem:v17+s3+$0x0], $0xffff;
	v9 =	vadd.f32 v8, v9;
	v8 =	vadd.f32 v14, v12;
	v14 =	vadd.s32 s28, v6;
	v12 =	vpop (erf)  }
0x60: {  	vm1 =	vlt.u32 v14, v7;
	v10 =	vadd.f32 v12, v10;
	v12 =	vadd.s32 $0xFFFFFF80, v14  }
0x61: {  	v16 =	vsel vm1, v14, v12;
	_ =	sdelay $0x1  }
0x62: {  	s29 =	simm.s32 $0x74;
	v15 =	vmul.f32 $1.442695020e+00, v15  }
0x63: {  	v12 =	vadd.s32 s29, v6;
	v13 =	vmul.f32 $1.442695020e+00, v13  }
0x64: {  	s30 =	simm.s32 $0x77;
	v18 =	vld.idx.msk [tilespmem:v18+s3+$0x0], $0xffff;
	vm1 =	vlt.u32 v12, v7;
	v14 =	vadd.s32 $0xFFFFFF80, v12;
	(erf) = vpow2.f32 v15  }
0x65: {  	v12 =	vsel vm1, v12, v14;
	v14 =	vadd.s32 s30, v6;
	(erf) = vpow2.f32 v13;
	v13 =	vld.idx.msk [tilespmem:v16+s3+$0x0], $0xffff  }
0x66: {  	vm1 =	vlt.u32 v14, v7;
	v17 =	vadd.s32 $0xFFFFFF80, v14  }
0x67: {  	s31 =	simm.s32 $0x76;
	v14 =	vsel vm1, v14, v17  }
0x68: {  	v11 =	vadd.f32 v61, v11;
	v15 =	vadd.s32 s31, v6  }
0x69: {  	s18 =	simm.s32 $0x75;
	s17 =	simm.s32 $0x78;
	vm1 =	vlt.u32 v15, v7;
	v17 =	vadd.s32 $0xFFFFFF80, v15;
	v16 =	vmul.f32 $1.442695020e+00, v18  }
.LBB2_5:
0x6a: {  	p0 =	sne.s32 s17, $0x7C;
	v12 =	vld.idx.msk [tilespmem:v12+s3+$0x0], $0xffff;
	v18 =	vadd.s32 s18, v6;
	v15 =	vsel vm1, v15, v17;
	v13 =	vmul.f32 $1.442695020e+00, v13  }
0x6b: {  	vm1 =	vlt.u32 v18, v7;
	v17 =	vadd.s32 $0xFFFFFF80, v18;
	(erf) = vpow2.f32 v16  }
0x6c: {  	v16 =	vsel vm1, v18, v17;
	v14 =	vld.idx.msk [tilespmem:v14+s3+$0x0], $0xffff;
	(erf) = vpow2.f32 v13;
	_ =	sdelay $0x1  }
0x6d: {  	v17 =	vpop (erf)  }
0x6e: {  	v13 =	vadd.s32 s17, v6  }
0x6f: {  	vm1 =	vlt.u32 v13, v7;
	v18 =	vadd.s32 $0xFFFFFF80, v13;
	v19 =	vmul.f32 $1.442695020e+00, v12;
	v20 =	vld.idx.msk [tilespmem:v15+s3+$0x0], $0xffff;
	v21 =	vpop (erf)  }
0x70: {  	s18 =	sadd.s32 $0x3, s17;
	v12 =	vsel vm1, v13, v18;
	v13 =	vld.idx.msk [tilespmem:v16+s3+$0x0], $0xffff  }
.Ltmp1:
0x71: {  	v16 =	vadd.s32 s18, v6;
	v22 =	vmul.f32 $1.442695020e+00, v14;
	(erf) = vpow2.f32 v19;
	(pc) =	sbr.rel @p0 .LBB2_5-.Ltmp1, $4  }
0x72: {  	v9 =	vadd.f32 v17, v9;
	s18 =	sadd.s32 $0x2, s17;
	vm1 =	vlt.u32 v16, v7;
	v14 =	vadd.s32 $0xFFFFFF80, v16  }
0x73: {  	v15 =	vadd.s32 s18, v6;
	v14 =	vsel vm1, v16, v14;
	(erf) = vpow2.f32 v22;
	v18 =	vpop (erf)  }
0x74: {  	v11 =	vadd.f32 v21, v11;
	vm1 =	vlt.u32 v15, v7;
	v17 =	vadd.s32 $0xFFFFFF80, v15;
	v19 =	vpop (erf)  }
0x75: {  	s18 =	sadd.s32 $0x1, s17;
	s17 =	sadd.s32 $0x4, s17;
	v16 =	vmul.f32 $1.442695020e+00, v20;
	v10 =	vadd.f32 v18, v10;
	v8 =	vadd.f32 v19, v8  }
0x76: {  	v6 =	vadd.s32 s18, v6  }
0x77: {  	v15 =	vsel vm1, v15, v17;
	vm1 =	vlt.u32 v6, v7;
	v44 =	vadd.s32 $0xFFFFFF80, v6  }
0x78: {  	v6 =	vsel vm1, v6, v44;
	_ =	sdelay $0x1  }
0x79: {  	v45 =	vld.idx.msk [tilespmem:v12+s3+$0x0], $0xffff  }
0x7a: {  	v46 =	vld.idx.msk [tilespmem:v14+s3+$0x0], $0xffff  }
0x7b: {  	v47 =	vld.idx.msk [tilespmem:v15+s3+$0x0], $0xffff  }
0x7c: {  	v6 =	vld.idx.msk [tilespmem:v6+s3+$0x0], $0xffff  }
0x7d: {  	v13 =	vmul.f32 $1.442695020e+00, v13  }
0x7e: {  	(erf) = vpow2.f32 v16;
	v7 =	vmul.f32 $1.442695020e+00, v45  }
0x7f: {  	v5 =	vld.idx.msk [tilespmem:v5+s10+$0x0], $0xffff;
	(erf) = vpow2.f32 v13;
	v12 =	vmul.f32 $1.442695020e+00, v46  }
0x80: {  	(erf) = vpow2.f32 v7;
	v48 =	vmul.f32 $1.442695020e+00, v47  }
0x81: {  	(erf) = vpow2.f32 v12;
	v6 =	vmul.f32 $1.442695020e+00, v6  }
0x82: {  	(erf) = vpow2.f32 v48  }
0x83: {  	(erf) = vpow2.f32 v6  }
0x84: {  	vm1 =	veq.s32 v5, $0xFFFFFF9C  }
0x85: {  	v49 =	vpop (erf);
	v5 =	vsel vm1, $0x0, v5  }
0x86: {  	v50 =	vpop (erf);
	v4 =	vadd.s32 v4, v5  }
0x87: {  	v51 =	vpop (erf)  }
0x88: {  	v13 =	vpop (erf)  }
0x89: {  	v52 =	vpop (erf)  }
0x8a: {  	v7 =	vadd.f32 v50, v11;
	v6 =	vadd.f32 v49, v9;
	v53 =	vpop (erf)  }
0x8b: {  	v10 =	vadd.f32 v51, v10;
	v8 =	vadd.f32 v13, v8;
	v4 =	vld.idx.msk [tilespmem:v4+s3+$0x0], $0xffff;
	v54 =	vpop (erf)  }
0x8c: {  	v6 =	vadd.f32 v52, v6;
	v7 =	vadd.f32 v53, v7;
	v55 =	vpop (erf)  }
0x8d: {  	v56 =	vadd.f32 v54, v10;
	v8 =	vadd.f32 v55, v8;
	_ =	sdelay $0x1  }
0x8e: {  	v7 =	vadd.f32 v7, v56;
	v6 =	vadd.f32 v8, v6  }
0x8f: {  	v4 =	vmul.f32 $1.442695020e+00, v4  }
0x90: {  	v6 =	vadd.f32 v7, v6  }
0x91: {  	(erf) = vpow2.f32 v4  }
0x92: {  	(erf) = vrcp.f32 v6;
	_ =	sdelay $0x7  }
0x93: {  	v4 =	vpop (erf)  }
0x94: {  	v6 =	vpop (erf)  }
0x95: {  	v4 =	vmul.f32 v4, v6;
	_ =	sdelay $0x1  }
0x96: {  	v4 =	vadd.f32 $1.000000010e-10, v4;
	_ =	sdelay $0x1  }
0x97: {  	v57 =	vand.u32 $0x7FFFFF, v4  }
0x98: {  	v6 =	vor.u32 $0x3F800000, v57  }
0x99: {  	v58 =	vmul.f32 $5.000000000e-01, v6  }
0x9a: {  	vm1 =	vgt.f32 v6, $1.414213540e+00  }
0x9b: {  	v6 =	vsel vm1, v58, v6  }
0x9c: {  	v7 =	vadd.f32 $1.000000000e+00, v6;
	_ =	sdelay $0x1  }
0x9d: {  	(erf) = vrcp.f32 v7;
	_ =	sdelay $0x7  }
0x9e: {  	v6 =	vadd.f32 $-1.000000000e+00, v6  }
0x9f: {  	v7 =	vpop (erf)  }
0xa0: {  	v6 =	vmul.f32 v7, v6;
	_ =	sdelay $0x1  }
0xa1: {  	v7 =	vmul.f32 v6, v6;
	_ =	sdelay $0x1  }
0xa2: {  	v59 =	vmul.f32 $1.428571490e-01, v7;
	_ =	sdelay $0x1  }
0xa3: {  	v8 =	vadd.f32 $2.000000030e-01, v59;
	_ =	sdelay $0x1  }
0xa4: {  	v8 =	vmul.f32 v8, v7;
	_ =	sdelay $0x1  }
0xa5: {  	v8 =	vadd.f32 $3.333333430e-01, v8  }
0xa6: {  	v60 =	vshrl.u32 v4, $0x17;
	v61 =	vsel vm1, $0x1, v1  }
0xa7: {  	v9 =	vadd.s32 v61, v60;
	v7 =	vmul.f32 v8, v7  }
0xa8: {  	v62 =	vadd.s32 $0xFFFFFF81, v9  }
0xa9: {  	v6 =	vadd.f32 v6, v6;
	v8 =	vcvt.s32.f32 v62;
	v7 =	vadd.f32 $1.000000000e+00, v7;
	_ =	sdelay $0x1  }
0xaa: {  	s16 =	sadd.s32 $0x1, s16;
	v4 =	vsub.f32 $1.000000000e+00, v4;
	v63 =	vmul.f32 $6.931471820e-01, v8;
	v6 =	vmul.f32 v7, v6  }
0xab: {  	p0 =	sne.s32 s16, $0x8;
	v5 =	vld.idx.msk [tilespmem:v5+s12+$0x0], $0xffff  }
.Ltmp2:
0xac: {  	v4 =	vmul.f32 v4, v4;
	v6 =	vadd.f32 v6, v63;
	(pc) =	sbr.rel @p0 .LBB2_2-.Ltmp2, $3  }
0xad: {  	_ = 	snop  }
0xae: {  	v4 =	vmul.f32 v6, v4;
	_ =	sdelay $0x1  }
0xaf: {  	v2 =	vadd.f32 v5, v2;
	v3 =	vadd.f32 v4, v3  }
0xb0: {  	_ = 	snop  }
0xb1: {  	(xrf2) =	vadd.scan.msk.f32 $0xffff, v3  }
0xb2: {  	(xrf2) =	vadd.scan.msk.f32 $0xffff, v2;
	_ =	sdelay $0x8  }
0xb3: {  	v2, _, _ =	vpop (xrf2)  }
0xb4: {  	v3, _, _ =	vpop (xrf2)  }
0xb5: {  	v2 =	vbroadcast v2, $0xF;
	v3 =	vbroadcast v3, $0xF  }
0xb6: {  	s15 =	sadd.s32 $0x1, s15  }
0xb7: {  	p0 =	sne.s32 s15, s8;
	v2 =	vsel vm0, v2, v3  }
.Ltmp3:
0xb8: {  	[tilespmem:$0x4100] =	vst v2;
	(pc) =	sbr.rel @p0 .LBB2_1-.Ltmp3, $4  }
0xb9: {  	[hbm4b:s7+s3] =	stream.linear.scatter [tilespmem:s14], [sflag:$0x3], $0x80, $0x38;
	[tilespmem:$0x4180] =	vst v63  }
0xba: {  	_ =	swait.ge [sflag:s11], $0x80  }
0xbb: {  	[sflag:s11] =	ssyncset.done $0x0  }
0xbc: {  	[sflag:s11] =	ssyncadd.s32 $0xFFFFFF80  }
0xbd: {  	_ =	sfence.sel $0x180000  }
0xbe: {  	[bflag:$0x0] =	sbarrier.arrive $0xFFFF  }
0xbf: {  	p0 =	sne.s32 s1, $0x0;
	_ =	strace $0x90000047  }
0xc0: {  	s0 =	sadd.s32 @!p0 $0x100000, s0;
	[bflag:$0x2] =	sbarrier.arrive $0xFFFF  }
0xc1: {  	[sflag:s0] =	ssyncadd.tile.s32 @!p0 $0x1;
	_ =	shalt  }
.Lfunc_end2:
_tile_overlayer_lowered:
.L_overlay_start_2:
0xc2: {  	(tag) =	ssettag $0x2  }
0xc3: {  	s0 =	rddreg [dreg:$0x0];
	s2 =	stileid.u32  }
0xc4: {  	s1 =	rddreg [dreg:$0x1];
	p0 =	sne.s32 s2, $0x0  }
0xc5: {  	s3 =	rddreg [dreg:$0x2];
	[bflag:$0x3] =	sbarrier.arrive $0xFFFF;
	s2 =	simm.s32 @!p0 $0x1C03  }
0xc6: {  	[timem:s3], [sflag:s2] =	dma.local @!p0 [hbm:s0], s1  }
0xc7: {  	s0 =	simm.s32 @!p0 $0x3  }
0xc8: {  	_ =	swait.ge @!p0 [sflag:s0], s1  }
0xc9: {  	s1 =	ssub.s32 @!p0 $0x0, s1;
	[sflag:s0] =	ssyncset.done @!p0 $0x0  }
0xca: {  	[sflag:s0] =	ssyncadd.s32 @!p0 s1  }
0xcb: {  	[bflag:$0x3] =	sbarrier.arrive $0xFFFF  }
0xcc: {  	_ =	shalt  }

</sc_bundles>
